<compile_context>
chip_gen: v7x
topology: tpu7x:2x2x1
jax: 0.10.2.dev20260603
libtpu: 0.0.44.dev20260713+nightly
codegen_flags: <defaults>
</compile_context>

<pallas_src>
import functools

import jax
import jax.numpy as jnp
from jax import lax
from jax.experimental import pallas as pl
from jax.experimental.pallas import tpu as pltpu
from jax.experimental.pallas import tpu_sc as plsc

VOCAB = 1000000
EMBED = 64
BATCH = 4096
SEQLEN = 200

SC_CORES = 2
SC_SUBCORES = 16
NW = SC_CORES * SC_SUBCORES
BPW = BATCH // NW
HALF = SEQLEN // 2

NCOLS = SEQLEN * EMBED
NTILE = NCOLS // 128
NGRP = BATCH // 8


def _gather_body(xeo_hbm, glove_hbm, out_hbm, idx_v, rows_a, rows_b, sem):
    wid = lax.axis_index("s") * SC_CORES + lax.axis_index("c")
    pltpu.sync_copy(xeo_hbm.at[wid], idx_v)

    pltpu.async_copy(glove_hbm.at[idx_v.at[0]], rows_a, sem)

    def body(b_local, carry):
        b = wid * BPW + b_local
        b8 = b // 8
        r8 = b % 8
        pltpu.async_copy(glove_hbm.at[idx_v.at[2 * b_local + 1]], rows_b, sem)
        pltpu.make_async_copy(glove_hbm.at[idx_v.at[0]], rows_a, sem).wait()
        pltpu.sync_copy(rows_a, out_hbm.at[b8, :, r8, pl.ds(0, 64)])

        @pl.when(b_local < BPW - 1)
        def _():
            pltpu.async_copy(
                glove_hbm.at[idx_v.at[2 * b_local + 2]], rows_a, sem
            )

        pltpu.make_async_copy(glove_hbm.at[idx_v.at[0]], rows_b, sem).wait()
        pltpu.sync_copy(rows_b, out_hbm.at[b8, :, r8, pl.ds(64, 64)])
        return carry

    lax.fori_loop(0, BPW, body, 0)


@functools.cache
def _sc_gather_call():
    return functools.partial(
        pl.kernel,
        mesh=plsc.VectorSubcoreMesh(core_axis_name="c", subcore_axis_name="s"),
        out_type=jax.ShapeDtypeStruct((NGRP, NTILE, 8, 128), jnp.float32),
        scratch_types=[
            pltpu.VMEM((2 * BPW, HALF), jnp.int32),
            pltpu.VMEM((HALF, EMBED), jnp.float32),
            pltpu.VMEM((HALF, EMBED), jnp.float32),
            pltpu.SemaphoreType.DMA,
        ],
        compiler_params=pltpu.CompilerParams(use_tc_tiling_on_sc=False),
    )(_gather_body)


def _tc_stats_body(emb_ref, qq_ref, bb_ref, mz_ref, m_ref, z_ref):
    i = pl.program_id(0)

    e3 = emb_ref[...].astype(jnp.float32).reshape(NTILE, 8, 128)
    s3 = qq_ref[...] * e3 + bb_ref[...]
    bm = jnp.max(s3, axis=1)
    m_old = jnp.where(i == 0, bm, m_ref[...])
    z_old = jnp.where(i == 0, 0.0, z_ref[...])
    m_new = jnp.maximum(m_old, bm)
    z_new = z_old * jnp.exp(m_old - m_new) + jnp.sum(
        jnp.exp(s3 - m_new[:, None, :]), axis=1
    )
    z_ref[...] = z_new
    m_ref[...] = m_new

    @pl.when(i == NGRP - 1)
    def _():
        mz_ref[0] = m_new
        mz_ref[1] = jnp.log(z_new)


_tc_stats = pl.pallas_call(
    _tc_stats_body,
    grid=(NGRP,),
    in_specs=[
        pl.BlockSpec((8 * NTILE, 128), lambda i: (i, 0)),
        pl.BlockSpec((1, 128), lambda i: (0, 0)),
        pl.BlockSpec((1, 128), lambda i: (0, 0)),
    ],
    out_specs=pl.BlockSpec((2, NTILE, 128), lambda i: (0, 0, 0)),
    out_shape=jax.ShapeDtypeStruct((2, NTILE, 128), jnp.float32),
    scratch_shapes=[
        pltpu.VMEM((NTILE, 128), jnp.float32),
        pltpu.VMEM((NTILE, 128), jnp.float32),
    ],
    compiler_params=pltpu.CompilerParams(
        dimension_semantics=("arbitrary",),
    ),
)


def _tc_out_body(emb_ref, mz_ref, qq_ref, bb_ref, fcwt_ref, fcb_ref, out_ref):
    e3 = emb_ref[...].astype(jnp.float32).reshape(NTILE, 8, 128)
    s3 = qq_ref[...] * e3 + bb_ref[...]
    lse = mz_ref[0] + mz_ref[1]
    w3 = jnp.exp(s3 - lse[:, None, :]) * e3
    he = jnp.sum(w3, axis=0)
    h = he[:, :EMBED] + he[:, EMBED:]
    out_ref[...] = (
        lax.dot_general(
            h, fcwt_ref[...], (((1,), (0,)), ((), ())),
            preferred_element_type=jnp.float32,
        )
        + fcb_ref[...]
    )


_tc_out = pl.pallas_call(
    _tc_out_body,
    grid=(NGRP,),
    in_specs=[
        pl.BlockSpec((8 * NTILE, 128), lambda i: (i, 0)),
        pl.BlockSpec((2, NTILE, 128), lambda i: (0, 0, 0)),
        pl.BlockSpec((1, 128), lambda i: (0, 0)),
        pl.BlockSpec((1, 128), lambda i: (0, 0)),
        pl.BlockSpec((EMBED, 2), lambda i: (0, 0)),
        pl.BlockSpec((1, 2), lambda i: (0, 0)),
    ],
    out_specs=pl.BlockSpec((8, 2), lambda i: (i, 0)),
    out_shape=jax.ShapeDtypeStruct((BATCH, 2), jnp.float32),
    compiler_params=pltpu.CompilerParams(
        dimension_semantics=("arbitrary",),
    ),
)


def kernel(x, glove, q, bias, fc_w, fc_b):
    xeo = (
        x.astype(jnp.int32)
        .reshape(BATCH, HALF, 2)
        .transpose(0, 2, 1)
        .reshape(NW, 2 * BPW, HALF)
    )
    emb4 = _sc_gather_call()(xeo, glove)
    emb2 = emb4.reshape(NGRP * NTILE * 8, 128)

    qq = jnp.concatenate([q, q]).reshape(1, 128)
    bb = jnp.concatenate([bias, bias]).reshape(1, 128)
    fcwt = fc_w.T
    fcb = fc_b.reshape(1, 2)

    mz = _tc_stats(emb2, qq, bb)
    return _tc_out(emb2, mz, qq, bb, fcwt, fcb)

# --- scband reference (transcript-rebuilt; emitter-appended) ---
"""Pipeline reference for scband-reseaux-ex-1-28028956574209 (READ-ONLY COPY).

The authoritative reference and input builder live on the scoring server;
editing this copy changes nothing except your own understanding.
"""

import jax, jax.numpy as jnp
import numpy as np

VOCAB = 1000000
EMBED = 64
BATCH = 4096
SEQLEN = 200

def setup_inputs(seed: int = 0) -> dict:
    key = jax.random.key(seed)
    k1, k2, k3, k4 = jax.random.split(key, 4)
    x = jax.random.randint(k1, (BATCH, SEQLEN), 0, VOCAB, dtype=jnp.int64 if jax.config.jax_enable_x64 else jnp.int32)
    glove = jax.random.normal(k2, (VOCAB, EMBED), dtype=jnp.float32)
    q = jax.random.uniform(k3, (EMBED,), minval=0.0, maxval=1.0, dtype=jnp.float32)
    bias = jnp.zeros((EMBED,), dtype=jnp.float32)
    fc_w = jax.random.normal(k4, (2, EMBED), dtype=jnp.float32) * (1.0 / np.sqrt(EMBED))
    fc_b = jnp.zeros((2,), dtype=jnp.float32)
    return {"x": x, "glove": glove, "q": q, "bias": bias, "fc_w": fc_w, "fc_b": fc_b}

def reference(x, glove, q, bias, fc_w, fc_b):
    # embedding lookup (gather)
    emb = jnp.take(glove, x, axis=0)  # [B, L, D]
    q_exp = q[None, None, :]  # broadcast of q.expand((B, L, D))
    # NOTE: original torch code calls F.softmax without dim on a 3D tensor;
    # torch legacy behavior picks dim=0 for 3D inputs, replicated faithfully here.
    P_a_t = jax.nn.softmax(q_exp * emb + bias, axis=0)
    h = P_a_t * emb
    h = jnp.sum(h, axis=1)  # [B, D]
    out = h @ fc_w.T + fc_b  # [B, 2]
    return out

if __name__ == "__main__":
    import jax
    _d = setup_inputs()
    print(jax.jit(kernel)(*tuple(_d.values())))

</pallas_src>

<mosaic_0001>
#map = affine_map<(d0, d1) -> (0, 0, 0)>
#map1 = affine_map<(d0, d1) -> (0, 0)>
#map2 = affine_map<(d0, d1) -> (0, 0, 0, 0)>
module attributes {stable_mosaic.version = 14 : i64} {
  func.func @_gather_body(%arg0: i32, %arg1: i32, %arg2: memref<32x256x100xi32, #tpu.memory_space<hbm>>, %arg3: memref<1000000x64xf32, #tpu.memory_space<hbm>>, %arg4: memref<512x100x8x128xf32, #tpu.memory_space<hbm>>, %arg5: memref<256x100xi32, #tpu.memory_space<vmem>>, %arg6: memref<100x64xf32, #tpu.memory_space<vmem>>, %arg7: memref<100x64xf32, #tpu.memory_space<vmem>>, %arg8: memref<!tpu.dma_semaphore, #tpu.memory_space<semaphore_mem>>) attributes {dimension_semantics = [#tpu.dimension_semantics<core_parallel>, #tpu.dimension_semantics<subcore_parallel>], iteration_bounds = array<i64: 2, 16>, scalar_prefetch = 0 : i64, scratch_operands = 4 : i64, tpu.core_type = #tpu.core_type<sc_vector_subcore>, window_params = [{transform_indices = #map}, {transform_indices = #map1}, {transform_indices = #map2}]} {
    %mul3A = arith.constant 2 : i32
    %mul3A_0 = arith.muli %arg1, %mul3A : i32
    %add3A = arith.addi %mul3A_0, %arg0 : i32
    "tpu.region"() ({
      %run_scoped3A = tpu.sem_alloc : memref<!tpu.dma_semaphore, #tpu.memory_space<semaphore_mem>>
      %dma_start3A_12 = arith.constant 0 : i32
      %dma_start3A_13 = arith.constant 0 : i32
      %dma_start3A_14 = tpu.memref_slice %arg2[%add3A, %dma_start3A_12, %dma_start3A_13] : memref<32x256x100xi32, #tpu.memory_space<hbm>> -> memref<1x256x100xi32, #tpu.memory_space<hbm>>
      %dma_start3A_15 = tpu.memref_squeeze %dma_start3A_14 : memref<1x256x100xi32, #tpu.memory_space<hbm>> -> memref<256x100xi32, #tpu.memory_space<hbm>>
      %dma_start3A_16 = arith.constant 0 : i32
      %dma_start3A_17 = arith.constant 0 : i32
      %dma_start3A_18 = tpu.memref_slice %arg2[%add3A, %dma_start3A_16, %dma_start3A_17] : memref<32x256x100xi32, #tpu.memory_space<hbm>> -> memref<1x256x100xi32, #tpu.memory_space<hbm>>
      %dma_start3A_19 = tpu.memref_squeeze %dma_start3A_18 : memref<1x256x100xi32, #tpu.memory_space<hbm>> -> memref<256x100xi32, #tpu.memory_space<hbm>>
      tpu.enqueue_dma source(%dma_start3A_19 : memref<256x100xi32, #tpu.memory_space<hbm>>) target(%arg5 : memref<256x100xi32, #tpu.memory_space<vmem>>) target_semaphore(%run_scoped3A : memref<!tpu.dma_semaphore, #tpu.memory_space<semaphore_mem>>)
      %dma_wait3A = arith.constant 0 : i32
      %dma_wait3A_20 = arith.constant 0 : i32
      %dma_wait3A_21 = tpu.memref_slice %arg2[%add3A, %dma_wait3A, %dma_wait3A_20] : memref<32x256x100xi32, #tpu.memory_space<hbm>> -> memref<1x256x100xi32, #tpu.memory_space<hbm>>
      %dma_wait3A_22 = tpu.memref_squeeze %dma_wait3A_21 : memref<1x256x100xi32, #tpu.memory_space<hbm>> -> memref<256x100xi32, #tpu.memory_space<hbm>>
      %dma_wait3A_23 = arith.constant 0 : i32
      %dma_wait3A_24 = arith.constant 0 : i32
      %dma_wait3A_25 = tpu.memref_slice %arg2[%add3A, %dma_wait3A_23, %dma_wait3A_24] : memref<32x256x100xi32, #tpu.memory_space<hbm>> -> memref<1x256x100xi32, #tpu.memory_space<hbm>>
      %dma_wait3A_26 = tpu.memref_squeeze %dma_wait3A_25 : memref<1x256x100xi32, #tpu.memory_space<hbm>> -> memref<256x100xi32, #tpu.memory_space<hbm>>
      tpu.wait_dma2 semaphore(%run_scoped3A : memref<!tpu.dma_semaphore, #tpu.memory_space<semaphore_mem>>) src(%dma_wait3A_26 : memref<256x100xi32, #tpu.memory_space<hbm>>) dst(%arg5 : memref<256x100xi32, #tpu.memory_space<vmem>>)
      tpu.yield
    }) : () -> ()
    %dma_start3A = arith.constant 0 : i32
    %dma_start3A_1 = arith.constant 0 : i32
    %dma_start3A_2 = tpu.memref_slice %arg5[%dma_start3A, %dma_start3A_1] : memref<256x100xi32, #tpu.memory_space<vmem>> -> memref<1x100xi32, #tpu.memory_space<vmem>>
    %dma_start3A_3 = tpu.memref_squeeze %dma_start3A_2 : memref<1x100xi32, #tpu.memory_space<vmem>> -> memref<100xi32, #tpu.memory_space<vmem>>
    %dma_start3A_4 = arith.constant 0 : i32
    %dma_start3A_5 = arith.constant 0 : i32
    %dma_start3A_6 = tpu.memref_slice %arg3[%dma_start3A_4, %dma_start3A_5] : memref<1000000x64xf32, #tpu.memory_space<hbm>> -> memref<1000000x64xf32, #tpu.memory_space<hbm>>
    tpu.enqueue_indirect_dma source(%dma_start3A_6 : memref<1000000x64xf32, #tpu.memory_space<hbm>>) target(%arg6 : memref<100x64xf32, #tpu.memory_space<vmem>>) offsets(%dma_start3A_3 : memref<100xi32, #tpu.memory_space<vmem>>) semaphore(%arg8 : memref<!tpu.dma_semaphore, #tpu.memory_space<semaphore_mem>>)
    %scan3A = arith.constant 0 : i32
    %scan3A_7 = arith.constant 0 : i32
    %scan3A_8 = arith.constant 128 : i32
    %scan3A_9 = arith.addi %scan3A_7, %scan3A_8 : i32
    %scan3A_10 = arith.constant 1 : i32
    scf.for %scan3A_12 = %scan3A_7 to %scan3A_9 step %scan3A_10  : i32 {
      %mul3A_13 = arith.constant 128 : i32
      %mul3A_14 = arith.muli %add3A, %mul3A_13 : i32
      %add3A_15 = arith.addi %mul3A_14, %scan3A_12 : i32
      %jit3A = arith.constant 8 : i32
      %div3A = arith.divsi %add3A_15, %jit3A : i32
      %sign3A = arith.constant 0 : i32
      %sign3A_16 = arith.cmpi sgt, %add3A_15, %sign3A : i32
      %sign3A_17 = arith.extui %sign3A_16 : i1 to i32
      %sign3A_18 = arith.constant 0 : i32
      %sign3A_19 = arith.cmpi slt, %add3A_15, %sign3A_18 : i32
      %sign3A_20 = arith.extui %sign3A_19 : i1 to i32
      %sign3A_21 = arith.subi %sign3A_17, %sign3A_20 : i32
      %sign3A_22 = arith.constant 0 : i32
      %sign3A_23 = arith.cmpi sgt, %jit3A, %sign3A_22 : i32
      %sign3A_24 = arith.extui %sign3A_23 : i1 to i32
      %sign3A_25 = arith.constant 0 : i32
      %sign3A_26 = arith.cmpi slt, %jit3A, %sign3A_25 : i32
      %sign3A_27 = arith.extui %sign3A_26 : i1 to i32
      %sign3A_28 = arith.subi %sign3A_24, %sign3A_27 : i32
      %ne3A = arith.cmpi ne, %sign3A_21, %sign3A_28 : i32
      %rem3A = arith.remsi %add3A_15, %jit3A : i32
      %ne3A_29 = arith.constant 0 : i32
      %ne3A_30 = arith.cmpi ne, %rem3A, %ne3A_29 : i32
      %and3A = arith.andi %ne3A, %ne3A_30 : i1
      %sub3A = arith.constant 1 : i32
      %sub3A_31 = arith.subi %div3A, %sub3A : i32
      %select_n3A = arith.select %and3A, %sub3A_31, %div3A : i32
      %jit3A_32 = arith.constant 8 : i32
      %eq3A = arith.constant 0 : i32
      %eq3A_33 = arith.cmpi eq, %jit3A_32, %eq3A : i32
      %jit3A_34 = arith.constant 1 : i32
      %select_n3A_35 = arith.select %eq3A_33, %jit3A_34, %jit3A_32 : i32
      %rem3A_36 = arith.remsi %add3A_15, %select_n3A_35 : i32
      %ne3A_37 = arith.constant 0 : i32
      %ne3A_38 = arith.cmpi ne, %rem3A_36, %ne3A_37 : i32
      %lt3A = arith.constant 0 : i32
      %lt3A_39 = arith.cmpi slt, %rem3A_36, %lt3A : i32
      %lt3A_40 = arith.constant 0 : i32
      %lt3A_41 = arith.cmpi slt, %select_n3A_35, %lt3A_40 : i32
      %ne3A_42 = arith.xori %lt3A_39, %lt3A_41 : i1
      %and3A_43 = arith.andi %ne3A_42, %ne3A_38 : i1
      %add3A_44 = arith.addi %rem3A_36, %select_n3A_35 : i32
      %select_n3A_45 = arith.select %and3A_43, %add3A_44, %rem3A_36 : i32
      %mul3A_46 = arith.constant 2 : i32
      %mul3A_47 = arith.muli %mul3A_46, %scan3A_12 : i32
      %add3A_48 = arith.constant 1 : i32
      %add3A_49 = arith.addi %mul3A_47, %add3A_48 : i32
      %dma_start3A_50 = arith.constant 0 : i32
      %dma_start3A_51 = tpu.memref_slice %arg5[%add3A_49, %dma_start3A_50] : memref<256x100xi32, #tpu.memory_space<vmem>> -> memref<1x100xi32, #tpu.memory_space<vmem>>
      %dma_start3A_52 = tpu.memref_squeeze %dma_start3A_51 : memref<1x100xi32, #tpu.memory_space<vmem>> -> memref<100xi32, #tpu.memory_space<vmem>>
      %dma_start3A_53 = arith.constant 0 : i32
      %dma_start3A_54 = arith.constant 0 : i32
      %dma_start3A_55 = tpu.memref_slice %arg3[%dma_start3A_53, %dma_start3A_54] : memref<1000000x64xf32, #tpu.memory_space<hbm>> -> memref<1000000x64xf32, #tpu.memory_space<hbm>>
      tpu.enqueue_indirect_dma source(%dma_start3A_55 : memref<1000000x64xf32, #tpu.memory_space<hbm>>) target(%arg7 : memref<100x64xf32, #tpu.memory_space<vmem>>) offsets(%dma_start3A_52 : memref<100xi32, #tpu.memory_space<vmem>>) semaphore(%arg8 : memref<!tpu.dma_semaphore, #tpu.memory_space<semaphore_mem>>)
      %dma_wait3A = arith.constant 0 : i32
      %dma_wait3A_56 = arith.constant 0 : i32
      %dma_wait3A_57 = tpu.memref_slice %arg5[%dma_wait3A, %dma_wait3A_56] : memref<256x100xi32, #tpu.memory_space<vmem>> -> memref<1x100xi32, #tpu.memory_space<vmem>>
      %dma_wait3A_58 = tpu.memref_squeeze %dma_wait3A_57 : memref<1x100xi32, #tpu.memory_space<vmem>> -> memref<100xi32, #tpu.memory_space<vmem>>
      %dma_wait3A_59 = arith.constant 0 : i32
      %dma_wait3A_60 = arith.constant 0 : i32
      %dma_wait3A_61 = tpu.memref_slice %arg3[%dma_wait3A_59, %dma_wait3A_60] : memref<1000000x64xf32, #tpu.memory_space<hbm>> -> memref<1000000x64xf32, #tpu.memory_space<hbm>>
      tpu.wait_indirect_dma semaphore(%arg8 : memref<!tpu.dma_semaphore, #tpu.memory_space<semaphore_mem>>) src(%dma_wait3A_61 : memref<1000000x64xf32, #tpu.memory_space<hbm>>) dst(%arg6 : memref<100x64xf32, #tpu.memory_space<vmem>>)
      "tpu.region"() ({
        %run_scoped3A = tpu.sem_alloc : memref<!tpu.dma_semaphore, #tpu.memory_space<semaphore_mem>>
        %dma_start3A_72 = arith.constant 0 : i32
        %dma_start3A_73 = arith.constant 0 : i32
        %dma_start3A_74 = tpu.memref_slice %arg4[%select_n3A, %dma_start3A_72, %select_n3A_45, %dma_start3A_73] : memref<512x100x8x128xf32, #tpu.memory_space<hbm>> -> memref<1x100x1x64xf32, #tpu.memory_space<hbm>>
        %dma_start3A_75 = tpu.memref_squeeze %dma_start3A_74 : memref<1x100x1x64xf32, #tpu.memory_space<hbm>> -> memref<100x64xf32, #tpu.memory_space<hbm>>
        %dma_start3A_76 = arith.constant 0 : i32
        %dma_start3A_77 = arith.constant 0 : i32
        %dma_start3A_78 = tpu.memref_slice %arg4[%select_n3A, %dma_start3A_76, %select_n3A_45, %dma_start3A_77] : memref<512x100x8x128xf32, #tpu.memory_space<hbm>> -> memref<1x100x1x64xf32, #tpu.memory_space<hbm>>
        %dma_start3A_79 = tpu.memref_squeeze %dma_start3A_78 : memref<1x100x1x64xf32, #tpu.memory_space<hbm>> -> memref<100x64xf32, #tpu.memory_space<hbm>>
        tpu.enqueue_dma source(%arg6 : memref<100x64xf32, #tpu.memory_space<vmem>>) target(%dma_start3A_79 : memref<100x64xf32, #tpu.memory_space<hbm>>) target_semaphore(%run_scoped3A : memref<!tpu.dma_semaphore, #tpu.memory_space<semaphore_mem>>)
        %dma_wait3A_80 = arith.constant 0 : i32
        %dma_wait3A_81 = arith.constant 0 : i32
        %dma_wait3A_82 = tpu.memref_slice %arg4[%select_n3A, %dma_wait3A_80, %select_n3A_45, %dma_wait3A_81] : memref<512x100x8x128xf32, #tpu.memory_space<hbm>> -> memref<1x100x1x64xf32, #tpu.memory_space<hbm>>
        %dma_wait3A_83 = tpu.memref_squeeze %dma_wait3A_82 : memref<1x100x1x64xf32, #tpu.memory_space<hbm>> -> memref<100x64xf32, #tpu.memory_space<hbm>>
        %dma_wait3A_84 = arith.constant 0 : i32
        %dma_wait3A_85 = arith.constant 0 : i32
        %dma_wait3A_86 = tpu.memref_slice %arg4[%select_n3A, %dma_wait3A_84, %select_n3A_45, %dma_wait3A_85] : memref<512x100x8x128xf32, #tpu.memory_space<hbm>> -> memref<1x100x1x64xf32, #tpu.memory_space<hbm>>
        %dma_wait3A_87 = tpu.memref_squeeze %dma_wait3A_86 : memref<1x100x1x64xf32, #tpu.memory_space<hbm>> -> memref<100x64xf32, #tpu.memory_space<hbm>>
        tpu.wait_dma2 semaphore(%run_scoped3A : memref<!tpu.dma_semaphore, #tpu.memory_space<semaphore_mem>>) src(%arg6 : memref<100x64xf32, #tpu.memory_space<vmem>>) dst(%dma_wait3A_87 : memref<100x64xf32, #tpu.memory_space<hbm>>)
        tpu.yield
      }) : () -> ()
      %lt3A_62 = arith.constant 127 : i32
      %lt3A_63 = arith.cmpi slt, %scan3A_12, %lt3A_62 : i32
      %convert_element_type3A = arith.extui %lt3A_63 : i1 to i32
      %cond3A = arith.constant 0 : i32
      %cond3A_64 = arith.cmpi ne, %convert_element_type3A, %cond3A : i32
      scf.if %cond3A_64 {
        %mul3A_72 = arith.constant 2 : i32
        %mul3A_73 = arith.muli %mul3A_72, %scan3A_12 : i32
        %add3A_74 = arith.constant 2 : i32
        %add3A_75 = arith.addi %mul3A_73, %add3A_74 : i32
        %dma_start3A_76 = arith.constant 0 : i32
        %dma_start3A_77 = tpu.memref_slice %arg5[%add3A_75, %dma_start3A_76] : memref<256x100xi32, #tpu.memory_space<vmem>> -> memref<1x100xi32, #tpu.memory_space<vmem>>
        %dma_start3A_78 = tpu.memref_squeeze %dma_start3A_77 : memref<1x100xi32, #tpu.memory_space<vmem>> -> memref<100xi32, #tpu.memory_space<vmem>>
        %dma_start3A_79 = arith.constant 0 : i32
        %dma_start3A_80 = arith.constant 0 : i32
        %dma_start3A_81 = tpu.memref_slice %arg3[%dma_start3A_79, %dma_start3A_80] : memref<1000000x64xf32, #tpu.memory_space<hbm>> -> memref<1000000x64xf32, #tpu.memory_space<hbm>>
        tpu.enqueue_indirect_dma source(%dma_start3A_81 : memref<1000000x64xf32, #tpu.memory_space<hbm>>) target(%arg6 : memref<100x64xf32, #tpu.memory_space<vmem>>) offsets(%dma_start3A_78 : memref<100xi32, #tpu.memory_space<vmem>>) semaphore(%arg8 : memref<!tpu.dma_semaphore, #tpu.memory_space<semaphore_mem>>)
      } else {
      }
      %dma_wait3A_65 = arith.constant 0 : i32
      %dma_wait3A_66 = arith.constant 0 : i32
      %dma_wait3A_67 = tpu.memref_slice %arg5[%dma_wait3A_65, %dma_wait3A_66] : memref<256x100xi32, #tpu.memory_space<vmem>> -> memref<1x100xi32, #tpu.memory_space<vmem>>
      %dma_wait3A_68 = tpu.memref_squeeze %dma_wait3A_67 : memref<1x100xi32, #tpu.memory_space<vmem>> -> memref<100xi32, #tpu.memory_space<vmem>>
      %dma_wait3A_69 = arith.constant 0 : i32
      %dma_wait3A_70 = arith.constant 0 : i32
      %dma_wait3A_71 = tpu.memref_slice %arg3[%dma_wait3A_69, %dma_wait3A_70] : memref<1000000x64xf32, #tpu.memory_space<hbm>> -> memref<1000000x64xf32, #tpu.memory_space<hbm>>
      tpu.wait_indirect_dma semaphore(%arg8 : memref<!tpu.dma_semaphore, #tpu.memory_space<semaphore_mem>>) src(%dma_wait3A_71 : memref<1000000x64xf32, #tpu.memory_space<hbm>>) dst(%arg7 : memref<100x64xf32, #tpu.memory_space<vmem>>)
      "tpu.region"() ({
        %run_scoped3A = tpu.sem_alloc : memref<!tpu.dma_semaphore, #tpu.memory_space<semaphore_mem>>
        %dma_start3A_72 = arith.constant 0 : i32
        %dma_start3A_73 = arith.constant 64 : i32
        %dma_start3A_74 = tpu.memref_slice %arg4[%select_n3A, %dma_start3A_72, %select_n3A_45, %dma_start3A_73] : memref<512x100x8x128xf32, #tpu.memory_space<hbm>> -> memref<1x100x1x64xf32, #tpu.memory_space<hbm>>
        %dma_start3A_75 = tpu.memref_squeeze %dma_start3A_74 : memref<1x100x1x64xf32, #tpu.memory_space<hbm>> -> memref<100x64xf32, #tpu.memory_space<hbm>>
        %dma_start3A_76 = arith.constant 0 : i32
        %dma_start3A_77 = arith.constant 64 : i32
        %dma_start3A_78 = tpu.memref_slice %arg4[%select_n3A, %dma_start3A_76, %select_n3A_45, %dma_start3A_77] : memref<512x100x8x128xf32, #tpu.memory_space<hbm>> -> memref<1x100x1x64xf32, #tpu.memory_space<hbm>>
        %dma_start3A_79 = tpu.memref_squeeze %dma_start3A_78 : memref<1x100x1x64xf32, #tpu.memory_space<hbm>> -> memref<100x64xf32, #tpu.memory_space<hbm>>
        tpu.enqueue_dma source(%arg7 : memref<100x64xf32, #tpu.memory_space<vmem>>) target(%dma_start3A_79 : memref<100x64xf32, #tpu.memory_space<hbm>>) target_semaphore(%run_scoped3A : memref<!tpu.dma_semaphore, #tpu.memory_space<semaphore_mem>>)
        %dma_wait3A_80 = arith.constant 0 : i32
        %dma_wait3A_81 = arith.constant 64 : i32
        %dma_wait3A_82 = tpu.memref_slice %arg4[%select_n3A, %dma_wait3A_80, %select_n3A_45, %dma_wait3A_81] : memref<512x100x8x128xf32, #tpu.memory_space<hbm>> -> memref<1x100x1x64xf32, #tpu.memory_space<hbm>>
        %dma_wait3A_83 = tpu.memref_squeeze %dma_wait3A_82 : memref<1x100x1x64xf32, #tpu.memory_space<hbm>> -> memref<100x64xf32, #tpu.memory_space<hbm>>
        %dma_wait3A_84 = arith.constant 0 : i32
        %dma_wait3A_85 = arith.constant 64 : i32
        %dma_wait3A_86 = tpu.memref_slice %arg4[%select_n3A, %dma_wait3A_84, %select_n3A_45, %dma_wait3A_85] : memref<512x100x8x128xf32, #tpu.memory_space<hbm>> -> memref<1x100x1x64xf32, #tpu.memory_space<hbm>>
        %dma_wait3A_87 = tpu.memref_squeeze %dma_wait3A_86 : memref<1x100x1x64xf32, #tpu.memory_space<hbm>> -> memref<100x64xf32, #tpu.memory_space<hbm>>
        tpu.wait_dma2 semaphore(%run_scoped3A : memref<!tpu.dma_semaphore, #tpu.memory_space<semaphore_mem>>) src(%arg7 : memref<100x64xf32, #tpu.memory_space<vmem>>) dst(%dma_wait3A_87 : memref<100x64xf32, #tpu.memory_space<hbm>>)
        tpu.yield
      }) : () -> ()
    }
    %scan3A_11 = arith.constant 128 : i32
    return
  }
}

module attributes {stable_mosaic.version = 14 : i64} {
  func.func @_tc_stats_body(%arg0: i32, %arg1: memref<800x128xf32, #tpu.memory_space<vmem>>, %arg2: memref<1x128xf32, #tpu.memory_space<vmem>>, %arg3: memref<1x128xf32, #tpu.memory_space<vmem>>, %arg4: memref<2x100x128xf32, #tpu.memory_space<vmem>>, %arg5: memref<100x128xf32, #tpu.memory_space<vmem>>, %arg6: memref<100x128xf32, #tpu.memory_space<vmem>>) attributes {dimension_semantics = [#tpu.dimension_semantics<arbitrary>], iteration_bounds = array<i64: 512>, scalar_prefetch = 0 : i64, scratch_operands = 2 : i64, tpu.core_type = #tpu.core_type<tc>, window_params = [{transform_indices = @transform_0, window_bounds = array<i64: 800, 128>}, {pipeline_mode = #tpu.pipeline_mode<synchronous>, transform_indices = @transform_1, window_bounds = array<i64: 1, 128>}, {pipeline_mode = #tpu.pipeline_mode<synchronous>, transform_indices = @transform_2, window_bounds = array<i64: 1, 128>}, {pipeline_mode = #tpu.pipeline_mode<synchronous>, transform_indices = @transform_3, window_bounds = array<i64: 2, 100, 128>}]} {
    %get3A = arith.constant 0 : index
    %get3A_0 = arith.constant 0 : index
    %get3A_1 = vector.load %arg1[%get3A, %get3A_0] : memref<800x128xf32, #tpu.memory_space<vmem>>, vector<800x128xf32>
    %reshape3A = vector.shape_cast %get3A_1 : vector<800x128xf32> to vector<100x8x128xf32>
    %get3A_2 = arith.constant 0 : index
    %get3A_3 = arith.constant 0 : index
    %get3A_4 = vector.load %arg2[%get3A_2, %get3A_3] : memref<1x128xf32, #tpu.memory_space<vmem>>, vector<1x128xf32>
    %broadcast_in_dim3A = vector.shape_cast %get3A_4 : vector<1x128xf32> to vector<1x1x128xf32>
    %mul3A = vector.broadcast %broadcast_in_dim3A : vector<1x1x128xf32> to vector<100x8x128xf32>
    %mul3A_5 = arith.mulf %mul3A, %reshape3A : vector<100x8x128xf32>
    %get3A_6 = arith.constant 0 : index
    %get3A_7 = arith.constant 0 : index
    %get3A_8 = vector.load %arg3[%get3A_6, %get3A_7] : memref<1x128xf32, #tpu.memory_space<vmem>>, vector<1x128xf32>
    %broadcast_in_dim3A_9 = vector.shape_cast %get3A_8 : vector<1x128xf32> to vector<1x1x128xf32>
    %add3A = vector.broadcast %broadcast_in_dim3A_9 : vector<1x1x128xf32> to vector<100x8x128xf32>
    %add3A_10 = arith.addf %mul3A_5, %add3A : vector<100x8x128xf32>
    %reduce_max3A = arith.constant dense<0xFF800000> : vector<100x128xf32>
    %reduce_max3A_11 = vector.multi_reduction <maximumf>, %add3A_10, %reduce_max3A [1] : vector<100x8x128xf32> to vector<100x128xf32>
    %eq3A = arith.constant 0 : i32
    %eq3A_12 = arith.cmpi eq, %arg0, %eq3A : i32
    %get3A_13 = arith.constant 0 : index
    %get3A_14 = arith.constant 0 : index
    %get3A_15 = vector.load %arg5[%get3A_13, %get3A_14] : memref<100x128xf32, #tpu.memory_space<vmem>>, vector<100x128xf32>
    %select_n3A = arith.select %eq3A_12, %reduce_max3A_11, %get3A_15 : vector<100x128xf32>
    %eq3A_16 = arith.constant 0 : i32
    %eq3A_17 = arith.cmpi eq, %arg0, %eq3A_16 : i32
    %get3A_18 = arith.constant 0 : index
    %get3A_19 = arith.constant 0 : index
    %get3A_20 = vector.load %arg6[%get3A_18, %get3A_19] : memref<100x128xf32, #tpu.memory_space<vmem>>, vector<100x128xf32>
    %jit3A = arith.constant 0.000000e+00 : f32
    %broadcast_in_dim3A_21 = vector.broadcast %jit3A : f32 to vector<100x128xf32>
    %select_n3A_22 = arith.select %eq3A_17, %broadcast_in_dim3A_21, %get3A_20 : vector<100x128xf32>
    %max3A = arith.maximumf %select_n3A, %reduce_max3A_11 : vector<100x128xf32>
    %sub3A = arith.subf %select_n3A, %max3A : vector<100x128xf32>
    %exp3A = math.exp %sub3A : vector<100x128xf32>
    %mul3A_23 = arith.mulf %select_n3A_22, %exp3A : vector<100x128xf32>
    %broadcast_in_dim3A_24 = vector.shape_cast %max3A : vector<100x128xf32> to vector<100x1x128xf32>
    %sub3A_25 = vector.broadcast %broadcast_in_dim3A_24 : vector<100x1x128xf32> to vector<100x8x128xf32>
    %sub3A_26 = arith.subf %add3A_10, %sub3A_25 : vector<100x8x128xf32>
    %exp3A_27 = math.exp %sub3A_26 : vector<100x8x128xf32>
    %reduce_sum3A = arith.constant dense<0.000000e+00> : vector<100x128xf32>
    %reduce_sum3A_28 = vector.multi_reduction <add>, %exp3A_27, %reduce_sum3A [1] : vector<100x8x128xf32> to vector<100x128xf32>
    %add3A_29 = arith.addf %mul3A_23, %reduce_sum3A_28 : vector<100x128xf32>
    %swap3A = arith.constant 0 : index
    %swap3A_30 = arith.constant 0 : index
    %swap3A_31 = vector.load %arg6[%swap3A, %swap3A_30] : memref<100x128xf32, #tpu.memory_space<vmem>>, vector<100x128xf32>
    tpu.vector_store %arg6[%swap3A, %swap3A_30], %add3A_29 {strides = array<i32>} : memref<100x128xf32, #tpu.memory_space<vmem>>, vector<100x128xf32>,
    %swap3A_32 = arith.constant 0 : index
    %swap3A_33 = arith.constant 0 : index
    %swap3A_34 = vector.load %arg5[%swap3A_32, %swap3A_33] : memref<100x128xf32, #tpu.memory_space<vmem>>, vector<100x128xf32>
    tpu.vector_store %arg5[%swap3A_32, %swap3A_33], %max3A {strides = array<i32>} : memref<100x128xf32, #tpu.memory_space<vmem>>, vector<100x128xf32>,
    %eq3A_35 = arith.constant 511 : i32
    %eq3A_36 = arith.cmpi eq, %arg0, %eq3A_35 : i32
    %convert_element_type3A = arith.extui %eq3A_36 : i1 to i32
    %cond3A = arith.constant 0 : i32
    %cond3A_37 = arith.cmpi ne, %convert_element_type3A, %cond3A : i32
    scf.if %cond3A_37 {
      %swap3A_38 = arith.constant 0 : index
      %swap3A_39 = arith.constant 0 : index
      %swap3A_40 = arith.constant 0 : index
      %swap3A_41 = vector.load %arg4[%swap3A_38, %swap3A_39, %swap3A_40] : memref<2x100x128xf32, #tpu.memory_space<vmem>>, vector<1x100x128xf32>
      %swap3A_42 = vector.shape_cast %swap3A_41 : vector<1x100x128xf32> to vector<100x128xf32>
      %swap3A_43 = vector.shape_cast %max3A : vector<100x128xf32> to vector<1x100x128xf32>
      tpu.vector_store %arg4[%swap3A_38, %swap3A_39, %swap3A_40], %swap3A_43 {strides = array<i32>} : memref<2x100x128xf32, #tpu.memory_space<vmem>>, vector<1x100x128xf32>,
      %log3A = math.log %add3A_29 : vector<100x128xf32>
      %swap3A_44 = arith.constant 1 : index
      %swap3A_45 = arith.constant 0 : index
      %swap3A_46 = arith.constant 0 : index
      %swap3A_47 = vector.load %arg4[%swap3A_44, %swap3A_45, %swap3A_46] : memref<2x100x128xf32, #tpu.memory_space<vmem>>, vector<1x100x128xf32>
      %swap3A_48 = vector.shape_cast %swap3A_47 : vector<1x100x128xf32> to vector<100x128xf32>
      %swap3A_49 = vector.shape_cast %log3A : vector<100x128xf32> to vector<1x100x128xf32>
      tpu.vector_store %arg4[%swap3A_44, %swap3A_45, %swap3A_46], %swap3A_49 {strides = array<i32>} : memref<2x100x128xf32, #tpu.memory_space<vmem>>, vector<1x100x128xf32>,
    } else {
    }
    return
  }
  func.func @transform_0(%arg0: i32) -> (i32, i32) {
    %c0_i32 = arith.constant 0 : i32
    %c0_i32_0 = arith.constant 0 : i32
    return %arg0, %c0_i32 : i32, i32
  }
  func.func @transform_1(%arg0: i32) -> (i32, i32) {
    %c0_i32 = arith.constant 0 : i32
    %c0_i32_0 = arith.constant 0 : i32
    %c0_i32_1 = arith.constant 0 : i32
    return %c0_i32, %c0_i32_0 : i32, i32
  }
  func.func @transform_2(%arg0: i32) -> (i32, i32) {
    %c0_i32 = arith.constant 0 : i32
    %c0_i32_0 = arith.constant 0 : i32
    %c0_i32_1 = arith.constant 0 : i32
    return %c0_i32, %c0_i32_0 : i32, i32
  }
  func.func @transform_3(%arg0: i32) -> (i32, i32, i32) {
    %c0_i32 = arith.constant 0 : i32
    %c0_i32_0 = arith.constant 0 : i32
    %c0_i32_1 = arith.constant 0 : i32
    %c0_i32_2 = arith.constant 0 : i32
    return %c0_i32, %c0_i32_0, %c0_i32_1 : i32, i32, i32
  }
}

module attributes {stable_mosaic.version = 14 : i64} {
  func.func @_tc_out_body(%arg0: i32, %arg1: memref<800x128xf32, #tpu.memory_space<vmem>>, %arg2: memref<2x100x128xf32, #tpu.memory_space<vmem>>, %arg3: memref<1x128xf32, #tpu.memory_space<vmem>>, %arg4: memref<1x128xf32, #tpu.memory_space<vmem>>, %arg5: memref<64x2xf32, #tpu.memory_space<vmem>>, %arg6: memref<1x2xf32, #tpu.memory_space<vmem>>, %arg7: memref<8x2xf32, #tpu.memory_space<vmem>>) attributes {dimension_semantics = [#tpu.dimension_semantics<arbitrary>], iteration_bounds = array<i64: 512>, scalar_prefetch = 0 : i64, scratch_operands = 0 : i64, tpu.core_type = #tpu.core_type<tc>, window_params = [{transform_indices = @transform_0, window_bounds = array<i64: 800, 128>}, {pipeline_mode = #tpu.pipeline_mode<synchronous>, transform_indices = @transform_1, window_bounds = array<i64: 2, 100, 128>}, {pipeline_mode = #tpu.pipeline_mode<synchronous>, transform_indices = @transform_2, window_bounds = array<i64: 1, 128>}, {pipeline_mode = #tpu.pipeline_mode<synchronous>, transform_indices = @transform_3, window_bounds = array<i64: 1, 128>}, {pipeline_mode = #tpu.pipeline_mode<synchronous>, transform_indices = @transform_4, window_bounds = array<i64: 64, 2>}, {pipeline_mode = #tpu.pipeline_mode<synchronous>, transform_indices = @transform_5, window_bounds = array<i64: 1, 2>}, {transform_indices = @transform_6, window_bounds = array<i64: 8, 2>}]} {
    %get3A = arith.constant 0 : index
    %get3A_0 = arith.constant 0 : index
    %get3A_1 = vector.load %arg1[%get3A, %get3A_0] : memref<800x128xf32, #tpu.memory_space<vmem>>, vector<800x128xf32>
    %reshape3A = vector.shape_cast %get3A_1 : vector<800x128xf32> to vector<100x8x128xf32>
    %get3A_2 = arith.constant 0 : index
    %get3A_3 = arith.constant 0 : index
    %get3A_4 = vector.load %arg3[%get3A_2, %get3A_3] : memref<1x128xf32, #tpu.memory_space<vmem>>, vector<1x128xf32>
    %broadcast_in_dim3A = vector.shape_cast %get3A_4 : vector<1x128xf32> to vector<1x1x128xf32>
    %mul3A = vector.broadcast %broadcast_in_dim3A : vector<1x1x128xf32> to vector<100x8x128xf32>
    %mul3A_5 = arith.mulf %mul3A, %reshape3A : vector<100x8x128xf32>
    %get3A_6 = arith.constant 0 : index
    %get3A_7 = arith.constant 0 : index
    %get3A_8 = vector.load %arg4[%get3A_6, %get3A_7] : memref<1x128xf32, #tpu.memory_space<vmem>>, vector<1x128xf32>
    %broadcast_in_dim3A_9 = vector.shape_cast %get3A_8 : vector<1x128xf32> to vector<1x1x128xf32>
    %add3A = vector.broadcast %broadcast_in_dim3A_9 : vector<1x1x128xf32> to vector<100x8x128xf32>
    %add3A_10 = arith.addf %mul3A_5, %add3A : vector<100x8x128xf32>
    %get3A_11 = arith.constant 0 : index
    %get3A_12 = arith.constant 0 : index
    %get3A_13 = arith.constant 0 : index
    %get3A_14 = vector.load %arg2[%get3A_11, %get3A_12, %get3A_13] : memref<2x100x128xf32, #tpu.memory_space<vmem>>, vector<1x100x128xf32>
    %get3A_15 = vector.shape_cast %get3A_14 : vector<1x100x128xf32> to vector<100x128xf32>
    %get3A_16 = arith.constant 1 : index
    %get3A_17 = arith.constant 0 : index
    %get3A_18 = arith.constant 0 : index
    %get3A_19 = vector.load %arg2[%get3A_16, %get3A_17, %get3A_18] : memref<2x100x128xf32, #tpu.memory_space<vmem>>, vector<1x100x128xf32>
    %get3A_20 = vector.shape_cast %get3A_19 : vector<1x100x128xf32> to vector<100x128xf32>
    %add3A_21 = arith.addf %get3A_15, %get3A_20 : vector<100x128xf32>
    %broadcast_in_dim3A_22 = vector.shape_cast %add3A_21 : vector<100x128xf32> to vector<100x1x128xf32>
    %sub3A = vector.broadcast %broadcast_in_dim3A_22 : vector<100x1x128xf32> to vector<100x8x128xf32>
    %sub3A_23 = arith.subf %add3A_10, %sub3A : vector<100x8x128xf32>
    %exp3A = math.exp %sub3A_23 : vector<100x8x128xf32>
    %mul3A_24 = arith.mulf %exp3A, %reshape3A : vector<100x8x128xf32>
    %reduce_sum3A = arith.constant dense<0.000000e+00> : vector<8x128xf32>
    %reduce_sum3A_25 = vector.multi_reduction <add>, %mul3A_24, %reduce_sum3A [0] : vector<100x8x128xf32> to vector<8x128xf32>
    %slice3A = vector.extract_strided_slice %reduce_sum3A_25 {offsets = [0, 0], sizes = [8, 64], strides = [1, 1]} : vector<8x128xf32> to vector<8x64xf32>
    %slice3A_26 = vector.extract_strided_slice %reduce_sum3A_25 {offsets = [0, 64], sizes = [8, 64], strides = [1, 1]} : vector<8x128xf32> to vector<8x64xf32>
    %add3A_27 = arith.addf %slice3A, %slice3A_26 : vector<8x64xf32>
    %get3A_28 = arith.constant 0 : index
    %get3A_29 = arith.constant 0 : index
    %get3A_30 = vector.load %arg5[%get3A_28, %get3A_29] : memref<64x2xf32, #tpu.memory_space<vmem>>, vector<64x2xf32>
    %dot_general3A = arith.constant dense<0.000000e+00> : vector<8x2xf32>
    %dot_general3A_31 = tpu.matmul %add3A_27, %get3A_30, %dot_general3A {dimension_numbers = #tpu.dot_dimension_numbers<[1], [0], [0], [1], [0, 0, 1, 1], [], []>, transpose_lhs_hint = false} : vector<8x64xf32>, vector<64x2xf32>, vector<8x2xf32> -> vector<8x2xf32>
    %get3A_32 = arith.constant 0 : index
    %get3A_33 = arith.constant 0 : index
    %get3A_34 = vector.load %arg6[%get3A_32, %get3A_33] : memref<1x2xf32, #tpu.memory_space<vmem>>, vector<1x2xf32>
    %add3A_35 = vector.broadcast %get3A_34 : vector<1x2xf32> to vector<8x2xf32>
    %add3A_36 = arith.addf %dot_general3A_31, %add3A_35 : vector<8x2xf32>
    %swap3A = arith.constant 0 : index
    %swap3A_37 = arith.constant 0 : index
    %swap3A_38 = vector.load %arg7[%swap3A, %swap3A_37] : memref<8x2xf32, #tpu.memory_space<vmem>>, vector<8x2xf32>
    tpu.vector_store %arg7[%swap3A, %swap3A_37], %add3A_36 {strides = array<i32>} : memref<8x2xf32, #tpu.memory_space<vmem>>, vector<8x2xf32>,
    return
  }
  func.func @transform_0(%arg0: i32) -> (i32, i32) {
    %c0_i32 = arith.constant 0 : i32
    %c0_i32_0 = arith.constant 0 : i32
    return %arg0, %c0_i32 : i32, i32
  }
  func.func @transform_1(%arg0: i32) -> (i32, i32, i32) {
    %c0_i32 = arith.constant 0 : i32
    %c0_i32_0 = arith.constant 0 : i32
    %c0_i32_1 = arith.constant 0 : i32
    %c0_i32_2 = arith.constant 0 : i32
    return %c0_i32, %c0_i32_0, %c0_i32_1 : i32, i32, i32
  }
  func.func @transform_2(%arg0: i32) -> (i32, i32) {
    %c0_i32 = arith.constant 0 : i32
    %c0_i32_0 = arith.constant 0 : i32
    %c0_i32_1 = arith.constant 0 : i32
    return %c0_i32, %c0_i32_0 : i32, i32
  }
  func.func @transform_3(%arg0: i32) -> (i32, i32) {
    %c0_i32 = arith.constant 0 : i32
    %c0_i32_0 = arith.constant 0 : i32
    %c0_i32_1 = arith.constant 0 : i32
    return %c0_i32, %c0_i32_0 : i32, i32
  }
  func.func @transform_4(%arg0: i32) -> (i32, i32) {
    %c0_i32 = arith.constant 0 : i32
    %c0_i32_0 = arith.constant 0 : i32
    %c0_i32_1 = arith.constant 0 : i32
    return %c0_i32, %c0_i32_0 : i32, i32
  }
  func.func @transform_5(%arg0: i32) -> (i32, i32) {
    %c0_i32 = arith.constant 0 : i32
    %c0_i32_0 = arith.constant 0 : i32
    %c0_i32_1 = arith.constant 0 : i32
    return %c0_i32, %c0_i32_0 : i32, i32
  }
  func.func @transform_6(%arg0: i32) -> (i32, i32) {
    %c0_i32 = arith.constant 0 : i32
    %c0_i32_0 = arith.constant 0 : i32
    return %arg0, %c0_i32 : i32, i32
  }
}

</mosaic_0001>

<sc_bundles>
// kernel: kernel.5.cloned.1.call-start
scs
__scs_entry_jumppad:
0x0: {  	(pc) =	sbr.rel $0x88, $3  }
0x1: {  	(tag) =	ssettag $0x0;
	lr =	simm.s32 $0x1  }
0x2: {  	[smem:$0x3F9B] =	sst lr;
	_ =	strace $0xD0000000  }
0x3: {  	_ = 	snop  }
0x4: {  	_ = 	snop  }
0x5: {  	_ = 	snop  }
0x6: {  	_ = 	snop  }
0x7: {  	_ = 	snop  }
__scs_overlays_trampoline_lowered:
0x8: {  	[smem:$0x3FAA] =	sst s0  }
0x9: {  	[smem:$0x3FAB] =	sst s1  }
0xa: {  	[smem:$0x3FAC] =	sst s2  }
0xb: {  	[smem:$0x3FAD] =	sst s3  }
0xc: {  	[smem:$0x3FAE] =	sst s4  }
0xd: {  	[smem:$0x3FAF] =	sst s5  }
0xe: {  	[smem:$0x3FB0] =	sst s6  }
0xf: {  	[smem:$0x3FB1] =	sst s7  }
0x10: {  	[smem:$0x3FB2] =	sst s8  }
0x11: {  	[smem:$0x3FB3] =	sst s9;
	s0 =	simm.s32 @!p0 $0x0  }
0x12: {  	s1 =	sld [smem:$0x3F99];
	s0 =	simm.s32 @p0 $0x1  }
0x13: {  	[smem:$0x3FB4] =	sst s0;
	s0 =	simm.s32 @!p1 $0x0  }
0x14: {  	s2 =	sld [smem:$0x3F98];
	s0 =	simm.s32 @p1 $0x1  }
0x15: {  	[smem:$0x3FB5] =	sst s0;
	s0 =	simm.s32 @!p2 $0x0  }
0x16: {  	s3 =	sld [smem:$0x3FDB];
	s0 =	simm.s32 @p2 $0x1  }
0x17: {  	s4 =	simm.s32 $0x1BF5;
	[smem:$0x3FB7] =	sst s0  }
0x18: {  	s0 =	sld [smem:$0x3F9A];
	_ =	swait.ge [sflag:s4], $0x0  }
0x19: {  	s7 =	sld [smem:$0x3F9B]  }
0x1a: {  	s8 =	sadd.s32 $0xFFFFE003, lr  }
0x1b: {  	s9 =	sadd.s32 $0xFFFFFEF7, lr;
	s5 =	simm.s32 $0xFFFFFFFF;
	p2 =	slt.u32 s8, $0xFFFFF086  }
0x1c: {  	p1 =	slt.u32 s9, $0xF7A;
	s5 =	simm.s32 @!p2 $0x0  }
0x1d: {  	s5 =	simm.s32 @p1 $0x1;
	p0 =	seq.s32 s7, s2  }
0x1e: {  	s7 =	smul.u32 @!p0 $0xF7A, s2;
	p2 =	seq.s32 @!p0 s5, $0x0  }
0x1f: {  	s9 =	smul.u32 $0xF7A, s1;
	s8 =	simm.s32 @!p0 $0x1BF5;
	p2 =	por !p2, p0  }
0x20: {  	[sflag:s8] =	ssyncset.s32 @!p0 $0xFFFFF086;
	s6 =	sadd.s32 @!p0 s3, s7;
	s7 =	simm.s32 @!p0 $0x108  }
0x21: {  	s3 =	sadd.s32 s3, s9;
	s6 =	sadd.s32 @!p0 $0x88, s6;
	s7 =	simm.s32 @p2 $0x1082  }
0x22: {  	[simem:s7], [sflag:s8] =	dma.local @!p0 [hbm:s6], $0xF7A  }
0x23: {  	s9 =	sor.u32 $0xD0000000, s2;
	s6 =	simm.s32 $0x108;
	_ =	swait.ge @!p0 [sflag:s8], $0x0  }
0x24: {  	s3 =	sadd.s32 $0x88, s3;
	s6 =	simm.s32 @!p1 $0x1082;
	[sflag:s4] =	ssyncset.s32 $0xFFFFF086  }
0x25: {  	[simem:s6], [sflag:s4] =	dma.local [hbm:s3], $0xF7A  }
0x26: {  	[smem:$0x3F9B] =	sst s1;
	(tag) =	ssettag s2;
	_ =	strace s9  }
0x27: {  	s1 =	sld [smem:$0x3FAB]  }
0x28: {  	s2 =	sld [smem:$0x3FAC]  }
0x29: {  	s4 =	sld [smem:$0x3FAE]  }
0x2a: {  	p0 =	seq.s32 s5, $0x0;
	s5 =	sld [smem:$0x3FAF]  }
0x2b: {  	s6 =	sld [smem:$0x3FB0]  }
0x2c: {  	s7 =	sld [smem:$0x3FB1]  }
0x2d: {  	s3 =	simm.s32 $0x108;
	s8 =	sld [smem:$0x3FB2]  }
0x2e: {  	s3 =	simm.s32 @!p0 $0x1082;
	s9 =	sld [smem:$0x3FB3]  }
0x2f: {  	lr =	sadd.s32 s0, s3;
	s0 =	sld [smem:$0x3FAA]  }
0x30: {  	s3 =	sld [smem:$0x3FAD]  }
0x31: {  	[smem:$0x3FB6] =	sst s10  }
0x32: {  	s10 =	sld [smem:$0x3FB4];
	_ =	sdelay $0x3  }
0x33: {  	p0 =	seq.s32 s10, $0x1;
	s10 =	sld [smem:$0x3FB6];
	_ =	sdelay $0x3  }
0x34: {  	[smem:$0x3FB6] =	sst s10  }
0x35: {  	s10 =	sld [smem:$0x3FB5];
	_ =	sdelay $0x3  }
0x36: {  	p1 =	seq.s32 s10, $0x1;
	s10 =	sld [smem:$0x3FB6];
	_ =	sdelay $0x3  }
0x37: {  	[smem:$0x3FB6] =	sst s10  }
0x38: {  	s10 =	sld [smem:$0x3FB7]  }
0x39: {  	_ = 	snop;
	(pc) =	sbr.ind lr, $3  }
0x3a: {  	_ = 	snop  }
0x3b: {  	_ = 	snop  }
0x3c: {  	p2 =	seq.s32 s10, $0x1;
	s10 =	sld [smem:$0x3FB6]  }
0x3d: {  	_ =	shalt  }
0x3e: {  	_ =	shalt  }
0x3f: {  	_ =	shalt  }
0x40: {  	_ =	shalt  }
0x41: {  	_ =	shalt  }
0x42: {  	_ =	shalt  }
0x43: {  	_ =	shalt  }
0x44: {  	_ =	shalt  }
0x45: {  	_ =	shalt  }
0x46: {  	_ =	shalt  }
0x47: {  	_ =	shalt  }
0x48: {  	_ =	shalt  }
0x49: {  	_ =	shalt  }
0x4a: {  	_ =	shalt  }
0x4b: {  	_ =	shalt  }
0x4c: {  	_ =	shalt  }
0x4d: {  	_ =	shalt  }
0x4e: {  	_ =	shalt  }
0x4f: {  	_ =	shalt  }
0x50: {  	_ =	shalt  }
0x51: {  	_ =	shalt  }
0x52: {  	_ =	shalt  }
0x53: {  	_ =	shalt  }
0x54: {  	_ =	shalt  }
0x55: {  	_ =	shalt  }
0x56: {  	_ =	shalt  }
0x57: {  	_ =	shalt  }
0x58: {  	_ =	shalt  }
0x59: {  	_ =	shalt  }
0x5a: {  	_ =	shalt  }
0x5b: {  	_ =	shalt  }
0x5c: {  	_ =	shalt  }
0x5d: {  	_ =	shalt  }
0x5e: {  	_ =	shalt  }
0x5f: {  	_ =	shalt  }
0x60: {  	_ =	shalt  }
0x61: {  	_ =	shalt  }
0x62: {  	_ =	shalt  }
0x63: {  	_ =	shalt  }
0x64: {  	_ =	shalt  }
0x65: {  	_ =	shalt  }
0x66: {  	_ =	shalt  }
0x67: {  	_ =	shalt  }
0x68: {  	_ =	shalt  }
0x69: {  	_ =	shalt  }
0x6a: {  	_ =	shalt  }
0x6b: {  	_ =	shalt  }
0x6c: {  	_ =	shalt  }
0x6d: {  	_ =	shalt  }
0x6e: {  	_ =	shalt  }
0x6f: {  	_ =	shalt  }
0x70: {  	_ =	shalt  }
0x71: {  	_ =	shalt  }
0x72: {  	_ =	shalt  }
0x73: {  	_ =	shalt  }
0x74: {  	_ =	shalt  }
0x75: {  	_ =	shalt  }
0x76: {  	_ =	shalt  }
0x77: {  	_ =	shalt  }
0x78: {  	_ =	shalt  }
0x79: {  	_ =	shalt  }
0x7a: {  	_ =	shalt  }
0x7b: {  	_ =	shalt  }
0x7c: {  	_ =	shalt  }
0x7d: {  	_ =	shalt  }
0x7e: {  	_ =	shalt  }
0x7f: {  	_ =	shalt  }
0x80: {  	_ =	shalt  }
0x81: {  	_ =	shalt  }
0x82: {  	_ =	shalt  }
0x83: {  	_ =	shalt  }
0x84: {  	_ =	shalt  }
0x85: {  	_ =	shalt  }
0x86: {  	_ =	shalt  }
0x87: {  	_ =	shalt  }
.Lfunc_end0:
.L_simem_size_0:
called_computation_lowered:
.L_overlay_start_0:
0x88: {  	s2 =	sld [smem:$0x3FD9]  }
0x89: {  	s3 =	sld [smem:$0x3FFE];
	_ =	sdelay $0x1  }
0x8a: {  	s1 =	srdreg.scid  }
0x8b: {  	s0 =	sand.u32 $0x1, s1  }
0x8c: {  	s16 =	sshll.u32 s0, $0xA;
	s2 =	sadd.s32 s3, s2  }
0x8d: {  	s2 =	sadd.s32 s2, s16  }
0x8e: {  	[smem:$0x3FC2] =	sst s2  }
0x8f: {  	_ = 	snop  }
0x90: {  	(tm) =	ssettm $0x1  }
0x91: {  	s17 =	sld [smem:$0x3FFB];
	_ =	sdelay $0x3  }
0x92: {  	_ =	strace s17  }
0x93: {  	s2 =	sld [smem:$0x3FFC];
	_ =	sdelay $0x3  }
0x94: {  	_ =	strace s2  }
0x95: {  	s2 =	sld [smem:$0x3FFD];
	_ =	sdelay $0x3  }
0x96: {  	_ =	strace s2  }
0x97: {  	_ =	strace $0x8FFFFFFF  }
0x98: {  	s18 =	sld [smem:$0x3FDB];
	_ =	sdelay $0x1  }
0x99: {  	s19 =	simm.s32 $_scs_section_size  }
0x9a: {  	s4 =	simm.s32 $_size__tile_overlayer_lowered;
	s5 =	simm.s32 $_tile_overlayer_lowered  }
0x9b: {  	s22 =	simm.s32 $0x1BFF;
	s21 =	sshll.u32 s5, $0x1;
	s2 =	sadd.s32 s19, s18  }
0x9c: {  	s6 =	simm.s32 $0x0;
	s20 =	sshll.u32 s4, $0x1;
	s4 =	sadd.s32 s21, s2  }
0x9d: {  	[timem:s6], [sflag:s22] =	dma.local [hbm:s4], s20  }
0x9e: {  	_ =	swait.ge [sflag:s22], s20  }
0x9f: {  	s3 =	ssub.s32 $0x0, s20;
	[sflag:s22] =	ssyncset.done $0x0  }
0xa0: {  	[sflag:s22] =	ssyncadd.s32 s3;
	_ =	sdelay $0x1  }
0xa1: {  	s23 =	simm.s32 $0x1B8B  }
0xa2: {  	_ =	swait.ge [sflag:s23], $0x1  }
0xa3: {  	[sflag:s23] =	ssyncset.done $0x0  }
0xa4: {  	s25 =	simm.s32 $0x1B8E;
	s24 =	sld [smem:$0x3FFE];
	[sflag:s23] =	ssyncadd.s32 $0xFFFFFFFF  }
0xa5: {  	s26 =	simm.s32 $execute0_lowered;
	[smem:$0x3FD2] =	sst s25  }
0xa6: {  	s4 =	sshll.u32 s26, $0x1;
	_ =	strace $0x80000046;
	[dreg:$0x1] =	wrdreg $0xFFFFFFFF  }
0xa7: {  	s28 =	simm.s32 $_size_execute0_lowered;
	s2 =	sadd.s32 s2, s4;
	[dreg:$0x0] =	wrdreg $0x0  }
0xa8: {  	s4 =	sshll.u32 s28, $0x1;
	[dreg:$0x2] =	wrdreg s2  }
0xa9: {  	[dreg:$0x3] =	wrdreg s4  }
0xaa: {  	[dreg:$0x4] =	wrdreg $0xC0  }
0xab: {  	_ =	task [dreg:s6], $0x5FFFF  }
0xac: {  	[dreg:$0x1] =	wrdreg $0xFFFFFFFF  }
0xad: {  	[dreg:$0x0] =	wrdreg $0x60  }
0xae: {  	[dreg:$0x2] =	wrdreg s24  }
0xaf: {  	[dreg:$0x3] =	wrdreg $0x9  }
0xb0: {  	_ =	task.clear_ibuf [dreg:s6], $0x4FFFF;
	_ =	strace $0x90000046  }
0xb1: {  	s29 =	simm.s32 $0x9;
	_ =	strace $0x80000048  }
0xb2: {  	_ =	swait.ge [sflag:s29], $0x1  }
0xb3: {  	[sflag:s29] =	ssyncadd.s32 $0xFFFFFFFF  }
0xb4: {  	_ =	strace $0x90000048  }
0xb5: {  	_ =	sfence  }
0xb6: {  	s30 =	sld [smem:$0x0];
	_ =	sdelay $0x2  }
0xb7: {  	s31 =	sshll.u32 s1, $0xD;
	s1 =	sshrl.u32 s1, $0x2  }
0xb8: {  	s3 =	sand.u32 $0x4000, s31;
	s1 =	sadd.s32 s1, s30  }
0xb9: {  	s0 =	sor.u32 s3, s0;
	s1 =	sshll.u32 s1, $0x11  }
0xba: {  	s0 =	sor.u32 s1, s0  }
0xbb: {  	s0 =	sadd.s32 $0x8F2B, s0  }
0xbc: {  	[sflag:s0] =	ssyncadd.remote.s32 $0x1  }
0xbd: {  	_ =	sfence.sel $0xFFFF  }
0xbe: {  	[dreg:$0x0] =	wrdreg $0xFFFFFFFF;
	(pc) =	sbr.abs _section_cstart, $3  }
0xbf: {  	[dreg:$0x1] =	wrdreg $0xFFFFFFFF  }
0xc0: {  	_ =	task.clear_ibuf [dreg:s6], $0x2FFFF;
	_ =	strace $0x9FFFFFFF  }
0xc1: {  	(tm) =	ssettm $0x7FFFFFFF  }
tec
execute0_lowered:
.L_overlay_start_1:
0x0: {  	(tag) =	ssettag $0x1  }
0x1: {  	s1 =	srdreg.scid  }
0x2: {  	s0 =	stileid.u32;
	s6 =	rddreg [dreg:$0x0];
	s2 =	simm.s32 $0x0  }
0x3: {  	s12 =	simm.s32 $0x64;
	s13 =	simm.s32 $0x6800;
	s14 =	simm.s32 $0x1  }
0x4: {  	s15 =	simm.s32 $0x8100;
	s16 =	simm.s32 $0x40;
	s17 =	simm.s32 $0x400  }
0x5: {  	s18 =	simm.s32 $0x6798;
	s8 =	sand.u32 $0x1, s1;
	s1 =	rddreg [dreg:$0x1]  }
0x6: {  	s19 =	simm.s32 $0x0;
	s29 =	sshll.u32 s0, $0x1;
	[smem:$0x7FF] =	sst s2  }
0x7: {  	s31 =	sshll.u32 s0, $0x8;
	s4 =	sor.u32 s8, s29;
	_ =	strace $0x80000047  }
0x8: {  	s7 =	ssub.s32 $0x2, s8;
	s11 =	sshll.u32 s8, $0x7;
	s3 =	smul.u32 $0xD00, s4  }
0x9: {  	s9 =	sshrl.u32 s7, $0x1;
	s10 =	smul.u32 $0x190000, s4;
	s4 =	sadd.s32 $0x1B000, s6  }
0xa: {  	s7 =	ssub.s32 s7, s9;
	s5 =	sadd.s32 s3, s6;
	s3 =	sadd.s32 $0xF43400, s6  }
0xb: {  	s6 =	sadd.s32 $0x1B008, s6;
	s7 =	smax.u32 s7, $0x1;
	s30 =	sshrl.u32 s10, $0x3  }
0xc: {  	s10 =	sor.u32 s11, s31;
	s11 =	simm.s32 $0x2;
	s9 =	sadd.s32 $0x2EE70, s30  }
0xd: {  	s5 =	sadd.s32 $0x1000, s5;
	s8 =	sadd.s32 s4, s9;
	s9 =	sadd.s32 s9, s6  }
.LBB2_1:
0xe: {  	[tilespmem:s2], [sflag:$0x2] =	stream.linear.gather [hbm4b:s5+s2], $0x6800, $0x38;
	[tilespmem:$0x9A00] =	vst v63  }
0xf: {  	s20 =	sadd.s32 $0x0, s10;
	s21 =	sand.u32 $0x7, s2  }
0x10: {  	_ =	swait.ge [sflag:s11], $0x6800;
	p0 =	seq.s32 s20, $0x0;
	p1 =	sne.s32 s21, $0x0  }
0x11: {  	[sflag:s11] =	ssyncset.done $0x0;
	p0 =	por !p0, !p1  }
0x12: {  	s21 =	simm.s32 $0x1;
	[sflag:s11] =	ssyncadd.s32 $0xFFFF9800;
	p0 =	por !p0, !p0  }
0x13: {  	[tilespmem:s13], [sflag:$0x1] =	stream.indirect.gather [hbm4b:s3+s12], $0x40, s2, s12, $0xb8;
	[tilespmem:$0x9A00] =	vst v63  }
0x14: {  	s20 =	sshrl.u32 s20, $0x3;
	s21 =	simm.s32 @!p0 $0x0  }
0x15: {  	s28 =	sand.u32 $0x380, s2;
	s20 =	ssub.s32 s20, s21  }
0x16: {  	s22 =	simm.s32 $0x68;
	s29 =	simm.s32 $0xD0;
	s20 =	smul.u32 $0x19000, s20  }
0x17: {  	[tilespmem:s15], [sflag:$0x1] =	stream.indirect.gather [hbm4b:s3+s12], $0x40, s22, s12, $0xb8;
	[tilespmem:$0x9A00] =	vst v63  }
0x18: {  	s31 =	simm.s32 $0x1;
	_ =	swait.ge [sflag:s14], $0x1900;
	s20 =	sor.u32 s28, s20  }
0x19: {  	s23 =	simm.s32 $0x2;
	[sflag:s14] =	ssyncset.done $0x0;
	s22 =	sshrl.u32 s20, $0x3  }
0x1a: {  	s24 =	sadd.s32 $0x1, s10;
	[sflag:s14] =	ssyncadd.s32 $0xFFFFE700;
	s30 =	sadd.s32 s4, s22  }
0x1b: {  	[hbm4b:s30+s16] =	stream.strided.scatter [tilespmem:s13], [sflag:$0x2], $0x1900, s17, s16, $0x38;
	[tilespmem:$0x9A00] =	vst v63  }
0x1c: {  	p5 =	seq.s32 s24, $0x0;
	s21 =	sand.u32 $0x7, s31;
	_ =	swait.ge [sflag:s11], $0x1900  }
0x1d: {  	s24 =	sshrl.u32 s24, $0x3;
	p6 =	sne.s32 s21, $0x0;
	[sflag:s11] =	ssyncset.done $0x0  }
0x1e: {  	s21 =	simm.s32 $0x80;
	p0 =	por !p5, !p6;
	[sflag:s11] =	ssyncadd.s32 $0xFFFFE700  }
0x1f: {  	[tilespmem:s13], [sflag:$0x1] =	stream.indirect.gather [hbm4b:s3+s12], $0x40, s29, s12, $0xb8;
	[tilespmem:$0x9A00] =	vst v63  }
0x20: {  	p1 =	por !p0, !p0;
	s20 =	simm.s32 $0x1A0;
	_ =	swait.ge [sflag:s14], $0x1900  }
.LBB2_2:
0x21: {  	s25 =	simm.s32 $0x1;
	[sflag:s14] =	ssyncset.done $0x0;
	s26 =	smov.u32 s23  }
0x22: {  	s28 =	sadd.s32 $0x1, s23;
	s29 =	smov.u32 s20;
	s25 =	simm.s32 @!p1 $0x0  }
0x23: {  	s22 =	sadd.s32 s22, s6;
	s24 =	ssub.s32 s24, s25;
	[sflag:s14] =	ssyncadd.s32 $0xFFFFE700  }
0x24: {  	p0 =	sne.s32 s23, $0x7E;
	s23 =	smul.u32 $0x19000, s24;
	s24 =	sand.u32 $0x380, s21  }
0x25: {  	[hbm4b:s22+s16] =	stream.strided.scatter [tilespmem:s15], [sflag:$0x2], $0x1900, s17, s16, $0x38;
	[tilespmem:$0x9A00] =	vst v63  }
0x26: {  	s22 =	sor.u32 s24, s23;
	_ =	swait.ge [sflag:s11], $0x1900  }
0x27: {  	s22 =	sshrl.u32 s22, $0x3;
	[sflag:s11] =	ssyncset.done $0x0  }
0x28: {  	s23 =	sadd.s32 $0xFFFFFF98, s20;
	s24 =	sadd.s32 s4, s22;
	[sflag:s11] =	ssyncadd.s32 $0xFFFFE700  }
0x29: {  	[tilespmem:s15], [sflag:$0x1] =	stream.indirect.gather [hbm4b:s3+s12], $0x40, s23, s12, $0xb8;
	[tilespmem:$0x9A00] =	vst v63  }
0x2a: {  	_ =	swait.ge [sflag:s14], $0x1900  }
0x2b: {  	s21 =	sadd.s32 $0x80, s21;
	[sflag:s14] =	ssyncset.done $0x0  }
0x2c: {  	s20 =	sadd.s32 $0xD0, s20;
	s23 =	sadd.s32 s26, s10;
	[sflag:s14] =	ssyncadd.s32 $0xFFFFE700  }
0x2d: {  	[hbm4b:s24+s16] =	stream.strided.scatter [tilespmem:s13], [sflag:$0x2], $0x1900, s17, s16, $0x38;
	[tilespmem:$0x9A00] =	vst v63  }
.Ltmp0:
0x2e: {  	s24 =	sand.u32 $0x7, s26;
	_ =	swait.ge [sflag:s11], $0x1900;
	(pc) =	sbr.rel @p0 .LBB2_2-.Ltmp0, $4  }
0x2f: {  	p1 =	seq.s32 s23, $0x0;
	p2 =	sne.s32 s24, $0x0;
	[sflag:s11] =	ssyncset.done $0x0  }
0x30: {  	s24 =	sshrl.u32 s23, $0x3;
	p1 =	por !p1, !p2;
	[sflag:s11] =	ssyncadd.s32 $0xFFFFE700  }
0x31: {  	[tilespmem:s13], [sflag:$0x1] =	stream.indirect.gather [hbm4b:s3+s12], $0x40, s29, s12, $0xb8;
	[tilespmem:$0x9A00] =	vst v63  }
0x32: {  	s23 =	smov.u32 s28;
	p1 =	por !p1, !p1;
	_ =	swait.ge [sflag:s14], $0x1900  }
0x33: {  	[sflag:s14] =	ssyncset.done $0x0  }
0x34: {  	s23 =	simm.s32 $0x1;
	s22 =	sadd.s32 s22, s6;
	[sflag:s14] =	ssyncadd.s32 $0xFFFFE700  }
0x35: {  	[hbm4b:s22+s16] =	stream.strided.scatter [tilespmem:s15], [sflag:$0x2], $0x1900, s17, s16, $0x38;
	[tilespmem:$0x9A00] =	vst v63  }
0x36: {  	s23 =	simm.s32 @!p1 $0x0;
	_ =	swait.ge [sflag:s11], $0x1900  }
0x37: {  	s21 =	sand.u32 $0x380, s21;
	s28 =	ssub.s32 s24, s23;
	[sflag:s11] =	ssyncset.done $0x0  }
0x38: {  	s29 =	sadd.s32 $0xFFFFFF98, s20;
	s22 =	smul.u32 $0x19000, s28;
	[sflag:s11] =	ssyncadd.s32 $0xFFFFE700  }
0x39: {  	[tilespmem:s15], [sflag:$0x1] =	stream.indirect.gather [hbm4b:s3+s12], $0x40, s29, s12, $0xb8;
	[tilespmem:$0x9A00] =	vst v63  }
0x3a: {  	s21 =	sor.u32 s21, s22;
	_ =	swait.ge [sflag:s14], $0x1900  }
0x3b: {  	s21 =	sshrl.u32 s21, $0x3;
	[sflag:s14] =	ssyncset.done $0x0  }
0x3c: {  	s30 =	sadd.s32 s4, s21;
	[sflag:s14] =	ssyncadd.s32 $0xFFFFE700  }
0x3d: {  	[hbm4b:s30+s16] =	stream.strided.scatter [tilespmem:s13], [sflag:$0x2], $0x1900, s17, s16, $0x38;
	[tilespmem:$0x9A00] =	vst v63  }
0x3e: {  	_ =	swait.ge [sflag:s11], $0x1900  }
0x3f: {  	[sflag:s11] =	ssyncset.done $0x0  }
0x40: {  	[sflag:s11] =	ssyncadd.s32 $0xFFFFE700  }
0x41: {  	[tilespmem:s13], [sflag:$0x1] =	stream.indirect.gather [hbm4b:s3+s12], $0x40, s20, s12, $0xb8;
	[tilespmem:$0x9A00] =	vst v63  }
0x42: {  	_ =	swait.ge [sflag:s14], $0x1900  }
0x43: {  	[sflag:s14] =	ssyncset.done $0x0  }
0x44: {  	s31 =	sadd.s32 s21, s6;
	[sflag:s14] =	ssyncadd.s32 $0xFFFFE700  }
0x45: {  	[hbm4b:s31+s16] =	stream.strided.scatter [tilespmem:s15], [sflag:$0x2], $0x1900, s17, s16, $0x38;
	[tilespmem:$0x9A00] =	vst v63  }
0x46: {  	_ =	swait.ge [sflag:s11], $0x1900  }
0x47: {  	[sflag:s11] =	ssyncset.done $0x0  }
0x48: {  	[sflag:s11] =	ssyncadd.s32 $0xFFFFE700  }
0x49: {  	[tilespmem:s15], [sflag:$0x1] =	stream.indirect.gather [hbm4b:s3+s12], $0x40, s18, s12, $0xb8;
	[tilespmem:$0x9A00] =	vst v63  }
0x4a: {  	_ =	swait.ge [sflag:s14], $0x1900  }
0x4b: {  	[sflag:s14] =	ssyncset.done $0x0  }
0x4c: {  	[sflag:s14] =	ssyncadd.s32 $0xFFFFE700  }
0x4d: {  	[hbm4b:s8+s16] =	stream.strided.scatter [tilespmem:s13], [sflag:$0x2], $0x1900, s17, s16, $0x38;
	[tilespmem:$0x9A00] =	vst v63  }
0x4e: {  	_ =	swait.ge [sflag:s11], $0x1900  }
0x4f: {  	[sflag:s11] =	ssyncset.done $0x0  }
0x50: {  	[sflag:s11] =	ssyncadd.s32 $0xFFFFE700  }
0x51: {  	s19 =	sadd.s32 $0x1, s19;
	_ =	swait.ge [sflag:s14], $0x1900  }
0x52: {  	p0 =	sne.s32 s19, s7;
	[sflag:s14] =	ssyncset.done $0x0  }
.Ltmp1:
0x53: {  	[sflag:s14] =	ssyncadd.s32 $0xFFFFE700;
	(pc) =	sbr.rel @p0 .LBB2_1-.Ltmp1, $4  }
0x54: {  	[hbm4b:s9+s16] =	stream.strided.scatter [tilespmem:s15], [sflag:$0x2], $0x1900, s17, s16, $0x38;
	[tilespmem:$0x9A00] =	vst v63  }
0x55: {  	_ =	swait.ge [sflag:s11], $0x1900  }
0x56: {  	[sflag:s11] =	ssyncset.done $0x0  }
0x57: {  	[sflag:s11] =	ssyncadd.s32 $0xFFFFE700  }
0x58: {  	_ =	sfence.sel $0x180000  }
0x59: {  	[bflag:$0x0] =	sbarrier.arrive $0xFFFF  }
0x5a: {  	p0 =	sne.s32 s0, $0x0;
	_ =	strace $0x90000047  }
0x5b: {  	s0 =	sadd.s32 @!p0 $0x100000, s1;
	[bflag:$0x2] =	sbarrier.arrive $0xFFFF  }
0x5c: {  	[sflag:s0] =	ssyncadd.tile.s32 @!p0 $0x1;
	_ =	shalt  }
.Lfunc_end2:
_tile_overlayer_lowered:
.L_overlay_start_2:
0x5d: {  	(tag) =	ssettag $0x2  }
0x5e: {  	s0 =	rddreg [dreg:$0x0];
	s2 =	stileid.u32  }
0x5f: {  	s1 =	rddreg [dreg:$0x1];
	p0 =	sne.s32 s2, $0x0  }
0x60: {  	s3 =	rddreg [dreg:$0x2];
	[bflag:$0x3] =	sbarrier.arrive $0xFFFF;
	s2 =	simm.s32 @!p0 $0x1C02  }
0x61: {  	[timem:s3], [sflag:s2] =	dma.local @!p0 [hbm:s0], s1  }
0x62: {  	s0 =	simm.s32 @!p0 $0x2  }
0x63: {  	_ =	swait.ge @!p0 [sflag:s0], s1  }
0x64: {  	s1 =	ssub.s32 @!p0 $0x0, s1;
	[sflag:s0] =	ssyncset.done @!p0 $0x0  }
0x65: {  	[sflag:s0] =	ssyncadd.s32 @!p0 s1  }
0x66: {  	[bflag:$0x3] =	sbarrier.arrive $0xFFFF  }
0x67: {  	_ =	shalt  }

</sc_bundles>
